<compile_context>
chip_gen: v7x
topology: tpu7x:2x2x1
jax: 0.10.2.dev20260603
libtpu: 0.0.44.dev20260713+nightly
codegen_flags: <defaults>
</compile_context>

<pallas_src>
import functools

import jax
import jax.numpy as jnp
from jax import lax
from jax.experimental import pallas as pl
from jax.experimental.pallas import tpu as pltpu
from jax.experimental.pallas import tpu_sc as plsc

_D = 128
_B = 2560
_HI = 128


def _pool_body(c_ref, hb_ref, x_hbm, y_hbm, wl_ref, wa_ref,
               accx_ref, e_ref, xbuf, ybuf, sem, ysem):
    b = pl.program_id(0)
    nb = pl.num_programs(0)

    @pl.when(b == 0)
    def _init():
        accx_ref[...] = jnp.zeros_like(accx_ref)
        pltpu.make_async_copy(x_hbm.at[pl.ds(0, _B), :], xbuf.at[0], sem.at[0]).start()
        pltpu.make_async_copy(y_hbm.at[pl.ds(0, _B), :], ybuf.at[0], ysem.at[0]).start()

    @pl.when(b + 1 < nb)
    def _prefetch():
        nxt = (b + 1) % 2
        off = (b + 1) * _B
        pltpu.make_async_copy(x_hbm.at[pl.ds(off, _B), :], xbuf.at[nxt], sem.at[nxt]).start()
        pltpu.make_async_copy(y_hbm.at[pl.ds(off, _B), :], ybuf.at[nxt], ysem.at[nxt]).start()

    slot = b % 2
    pltpu.make_async_copy(x_hbm.at[pl.ds(b * _B, _B), :], xbuf.at[slot], sem.at[slot]).wait()
    pltpu.make_async_copy(y_hbm.at[pl.ds(b * _B, _B), :], ybuf.at[slot], ysem.at[slot]).wait()

    xb = xbuf[slot]
    yb = ybuf[slot]
    wl = wl_ref[...].astype(jnp.bfloat16)
    wa = wa_ref[...].astype(jnp.bfloat16)
    xbb = xb.astype(jnp.bfloat16)

    v = jax.lax.dot_general(wl, wa, (((0,), (1,)), ((), ())),
                            preferred_element_type=jnp.float32)

    s = jax.lax.dot_general(xbb, v.astype(jnp.bfloat16), (((1,), (0,)), ((), ())),
                            preferred_element_type=jnp.float32) + c_ref[0]
    s = jnp.where(s >= 0.0, s, 0.2 * s)
    e = jnp.exp(s)
    e_ref[...] = e

    h0 = hb_ref[b, 0]
    h1 = hb_ref[b, 1]
    lane = jax.lax.broadcasted_iota(jnp.int32, (_B, _HI), 1)

    def win(hi):
        ohw = jnp.where(yb - hi * _HI == lane, e, 0.0).astype(jnp.bfloat16)
        px = jax.lax.dot_general(ohw, xbb, (((0,), (0,)), ((), ())),
                                 preferred_element_type=jnp.float32)
        r = pl.multiple_of(hi * _HI, _HI)
        accx_ref[pl.ds(r, _HI), :] += px

    win(h0)

    @pl.when(h1 > h0)
    def _second_window():
        win(h0 + 1)

    @pl.when(h1 > h0 + 1)
    def _rare_tail():
        jax.lax.fori_loop(h0 + 2, h1 + 1, lambda hi, c: (win(hi), c)[1], 0)


_NW = 32
_CH = 2000
_L = 16


def _segment_mass(e, y, c_pad):
    n = e.shape[0]
    rpw = n // _NW
    nch = rpw // _CH
    mesh = plsc.VectorSubcoreMesh(core_axis_name="c", subcore_axis_name="s")

    @functools.partial(
        pl.kernel,
        out_type=jax.ShapeDtypeStruct((_NW, c_pad), jnp.float32),
        mesh=mesh,
        scratch_types=[
            pltpu.VMEM((c_pad,), jnp.float32),
            pltpu.VMEM((_CH,), jnp.float32),
            pltpu.VMEM((_CH,), jnp.int32),
        ],
        compiler_params=pltpu.CompilerParams(needs_layout_passes=False),
    )
    def zkern(e_hbm, y_hbm, z_hbm, zloc, ebuf, ybuf):
        wid = lax.axis_index("s") * 2 + lax.axis_index("c")
        base = wid * rpw

        def zinit(i, carry):
            zloc[pl.ds(i * _L, _L)] = jnp.zeros((_L,), jnp.float32)
            return carry
        jax.lax.fori_loop(0, c_pad // _L, zinit, 0)

        def chunk(j, carry):
            off = base + j * _CH
            pltpu.sync_copy(e_hbm.at[pl.ds(off, _CH)], ebuf)
            pltpu.sync_copy(y_hbm.at[pl.ds(off, _CH)], ybuf)

            def vec(i, c2):
                e16 = ebuf[pl.ds(i * _L, _L)]
                y16 = ybuf[pl.ds(i * _L, _L)]
                plsc.addupdate_scatter(zloc, [y16], e16)
                return c2
            jax.lax.fori_loop(0, _CH // _L, vec, 0)
            return carry
        jax.lax.fori_loop(0, nch, chunk, 0)

        pltpu.sync_copy(zloc, z_hbm.at[wid])

    return zkern(e, y)


def _proj_body(accx_ref, accz_ref, wl_ref, bl_ref, out_ref):
    z = accz_ref[...]
    nz = z > 0.0
    g = jnp.where(nz, accx_ref[...] / jnp.where(nz, z, 1.0), 0.0)
    po = jax.lax.dot_general(g, wl_ref[...], (((1,), (1,)), ((), ())),
                             preferred_element_type=jnp.float32)
    out_ref[...] = po + jnp.where(nz, 1.0, 0.0) * bl_ref[...]


def kernel(context_h_input, context_y, num_classes, W_lin, b_lin, W_att, b_att):
    n, d = context_h_input.shape
    num_blocks = n // _B
    c_pad = 10240
    n_hi = c_pad // _HI

    y2 = context_y.reshape(n, 1)
    bl2 = b_lin.reshape(1, d)
    c0 = (jnp.dot(b_lin, W_att[0]) + b_att[0]).reshape(1)
    yblk = context_y.reshape(num_blocks, _B)
    hb = jnp.stack([yblk[:, 0] // _HI, yblk[:, -1] // _HI], axis=1)

    accx, e2 = pl.pallas_call(
        _pool_body,
        grid=(num_blocks,),
        in_specs=[
            pl.BlockSpec(memory_space=pltpu.SMEM),
            pl.BlockSpec(memory_space=pltpu.SMEM),
            pl.BlockSpec(memory_space=pltpu.MemorySpace.HBM),
            pl.BlockSpec(memory_space=pltpu.MemorySpace.HBM),
            pl.BlockSpec((d, d), lambda b: (0, 0)),
            pl.BlockSpec((1, d), lambda b: (0, 0)),
        ],
        out_specs=[
            pl.BlockSpec((c_pad, d), lambda b: (0, 0)),
            pl.BlockSpec((_B, 1), lambda b: (b, 0)),
        ],
        out_shape=[
            jax.ShapeDtypeStruct((c_pad, d), jnp.float32),
            jax.ShapeDtypeStruct((n, 1), jnp.float32),
        ],
        scratch_shapes=[
            pltpu.VMEM((2, _B, d), jnp.float32),
            pltpu.VMEM((2, _B, 1), jnp.int32),
            pltpu.SemaphoreType.DMA((2,)),
            pltpu.SemaphoreType.DMA((2,)),
        ],
        compiler_params=pltpu.CompilerParams(
            dimension_semantics=("arbitrary",),
            fuse_transposed_lhs_in_matmul=True,
        ),
    )(c0, hb, context_h_input, y2, W_lin, W_att)

    zv = _segment_mass(e2.reshape(n), context_y, c_pad)
    accz = zv.sum(axis=0).reshape(c_pad, 1)

    out = pl.pallas_call(
        _proj_body,
        grid=(n_hi,),
        in_specs=[
            pl.BlockSpec((_HI, d), lambda b: (b, 0)),
            pl.BlockSpec((_HI, 1), lambda b: (b, 0)),
            pl.BlockSpec((d, d), lambda b: (0, 0)),
            pl.BlockSpec((1, d), lambda b: (0, 0)),
        ],
        out_specs=pl.BlockSpec((_HI, d), lambda b: (b, 0)),
        out_shape=jax.ShapeDtypeStruct((c_pad, d), jnp.float32),
    )(accx, accz, W_lin, bl2)

    pooled = out[:10000]
    return pooled + (jnp.asarray(num_classes) - 10000).astype(pooled.dtype)

# --- scband reference (transcript-rebuilt; emitter-appended) ---
"""Pipeline reference for scband-attention-pool-1297080123655 (READ-ONLY COPY).

The authoritative reference and input builder live on the scoring server;
editing this copy changes nothing except your own understanding.
"""

import jax, jax.numpy as jnp
import numpy as np

IN_C = 128
OUT_C = 128
NHEAD = 1
N = 320000
NUM_CLASSES = 10000


def setup_inputs(seed: int = 0) -> dict:
    key = jax.random.key(seed)
    k1, k2, k3, k4 = jax.random.split(key, 4)
    context_h_input = jax.random.normal(k1, (N, IN_C), dtype=jnp.float32)
    context_y = jnp.sort(jax.random.randint(k2, (N,), 0, NUM_CLASSES, dtype=jnp.int32))
    # Linear(in_channels, nhead*out_channels)
    W_lin = jax.random.normal(k3, (NHEAD * OUT_C, IN_C), dtype=jnp.float32) * (1.0 / np.sqrt(IN_C))
    b_lin = jnp.zeros((NHEAD * OUT_C,), dtype=jnp.float32)
    # Linear(out_channels, 1)
    W_att = jax.random.normal(k4, (1, OUT_C), dtype=jnp.float32) * (1.0 / np.sqrt(OUT_C))
    b_att = jnp.zeros((1,), dtype=jnp.float32)
    return {
        "context_h_input": context_h_input,
        "context_y": context_y,
        "num_classes": NUM_CLASSES,
        "W_lin": W_lin,
        "b_lin": b_lin,
        "W_att": W_att,
        "b_att": b_att,
    }


def _leaky_relu(x, neg_slope=0.2):
    return jnp.where(x >= 0, x, neg_slope * x)


def reference(context_h_input, context_y, num_classes, W_lin, b_lin, W_att, b_att):
    # eval mode: dropout is identity
    h = context_h_input @ W_lin.T + b_lin                      # [N, nhead*out]
    h = h.reshape(-1, NHEAD, OUT_C)                            # [N, nhead, out]
    att_score = jnp.squeeze(h @ W_att.T + b_att, -1)           # [N, nhead]
    att_score = _leaky_relu(att_score, 0.2)
    # scatter_softmax over dim 0 grouped by context_y
    smax = jax.ops.segment_max(att_score, context_y, num_segments=NUM_CLASSES)  # [C, nhead]
    smax = jnp.where(jnp.isfinite(smax), smax, 0.0)
    e = jnp.exp(att_score - smax[context_y])                   # [N, nhead]
    ssum = jax.ops.segment_sum(e, context_y, num_segments=NUM_CLASSES)          # [C, nhead]
    att_weights = e / ssum[context_y]                          # [N, nhead]
    att_h = h * att_weights[:, :, None]                        # [N, nhead, out]
    att_h = att_h.reshape(-1, NHEAD * OUT_C)                   # [N, nhead*out]
    # scatter_reduce sum with include_self=False onto zeros == segment_sum
    pooled_h = jax.ops.segment_sum(att_h, context_y, num_segments=NUM_CLASSES)  # [C, nhead*out]
    pooled_h = pooled_h + (jnp.asarray(num_classes) - NUM_CLASSES).astype(pooled_h.dtype)
    return pooled_h

if __name__ == "__main__":
    import jax
    _d = setup_inputs()
    print(jax.jit(kernel)(*tuple(_d.values())))

</pallas_src>

<mosaic_0001>
#map = affine_map<(d0, d1) -> (0)>
#map1 = affine_map<(d0, d1) -> (0, 0)>
module attributes {stable_mosaic.version = 14 : i64} {
  func.func @zkern(%arg0: i32, %arg1: i32, %arg2: memref<320000xf32, #tpu.memory_space<hbm>>, %arg3: memref<320000xi32, #tpu.memory_space<hbm>>, %arg4: memref<32x10240xf32, #tpu.memory_space<hbm>>, %arg5: memref<10240xf32, #tpu.memory_space<vmem>>, %arg6: memref<2000xf32, #tpu.memory_space<vmem>>, %arg7: memref<2000xi32, #tpu.memory_space<vmem>>) attributes {dimension_semantics = [#tpu.dimension_semantics<core_parallel>, #tpu.dimension_semantics<subcore_parallel>], iteration_bounds = array<i64: 2, 16>, scalar_prefetch = 0 : i64, scratch_operands = 3 : i64, tpu.core_type = #tpu.core_type<sc_vector_subcore>, window_params = [{transform_indices = #map}, {transform_indices = #map}, {transform_indices = #map1}]} {
    %mul3A = arith.constant 2 : i32
    %mul3A_0 = arith.muli %arg1, %mul3A : i32
    %add3A = arith.addi %mul3A_0, %arg0 : i32
    %mul3A_1 = arith.constant 10000 : i32
    %mul3A_2 = arith.muli %add3A, %mul3A_1 : i32
    %scan3A = arith.constant 0 : i32
    %scan3A_3 = arith.constant 0 : i32
    %scan3A_4 = arith.constant 640 : i32
    %scan3A_5 = arith.addi %scan3A_3, %scan3A_4 : i32
    %scan3A_6 = arith.constant 1 : i32
    scf.for %scan3A_14 = %scan3A_3 to %scan3A_5 step %scan3A_6  : i32 {
      %broadcast_in_dim3A = arith.constant 0.000000e+00 : f32
      %broadcast_in_dim3A_15 = vector.broadcast %broadcast_in_dim3A : f32 to vector<16xf32>
      %mul3A_16 = arith.constant 16 : i32
      %mul3A_17 = arith.muli %scan3A_14, %mul3A_16 : i32
      %swap3A = arith.index_cast %mul3A_17 : i32 to index
      %swap3A_18 = tpu.vector_load %arg5[%swap3A] {strides = array<i32>} : memref<10240xf32, #tpu.memory_space<vmem>>, vector<16xf32>,
      tpu.vector_store %arg5[%swap3A], %broadcast_in_dim3A_15 {strides = array<i32>} : memref<10240xf32, #tpu.memory_space<vmem>>, vector<16xf32>,
    }
    %scan3A_7 = arith.constant 640 : i32
    %scan3A_8 = arith.constant 0 : i32
    %scan3A_9 = arith.constant 0 : i32
    %scan3A_10 = arith.constant 5 : i32
    %scan3A_11 = arith.addi %scan3A_9, %scan3A_10 : i32
    %scan3A_12 = arith.constant 1 : i32
    scf.for %scan3A_14 = %scan3A_9 to %scan3A_11 step %scan3A_12  : i32 {
      %mul3A_15 = arith.constant 2000 : i32
      %mul3A_16 = arith.muli %scan3A_14, %mul3A_15 : i32
      %add3A_17 = arith.addi %mul3A_2, %mul3A_16 : i32
      "tpu.region"() ({
        %run_scoped3A = tpu.sem_alloc : memref<!tpu.dma_semaphore, #tpu.memory_space<semaphore_mem>>
        %dma_start3A = tpu.memref_slice %arg2[%add3A_17] : memref<320000xf32, #tpu.memory_space<hbm>> -> memref<2000xf32, #tpu.memory_space<hbm>>
        %dma_start3A_24 = tpu.memref_slice %arg2[%add3A_17] : memref<320000xf32, #tpu.memory_space<hbm>> -> memref<2000xf32, #tpu.memory_space<hbm>>
        tpu.enqueue_dma source(%dma_start3A_24 : memref<2000xf32, #tpu.memory_space<hbm>>) target(%arg6 : memref<2000xf32, #tpu.memory_space<vmem>>) target_semaphore(%run_scoped3A : memref<!tpu.dma_semaphore, #tpu.memory_space<semaphore_mem>>)
        %dma_wait3A = tpu.memref_slice %arg2[%add3A_17] : memref<320000xf32, #tpu.memory_space<hbm>> -> memref<2000xf32, #tpu.memory_space<hbm>>
        %dma_wait3A_25 = tpu.memref_slice %arg2[%add3A_17] : memref<320000xf32, #tpu.memory_space<hbm>> -> memref<2000xf32, #tpu.memory_space<hbm>>
        tpu.wait_dma2 semaphore(%run_scoped3A : memref<!tpu.dma_semaphore, #tpu.memory_space<semaphore_mem>>) src(%dma_wait3A_25 : memref<2000xf32, #tpu.memory_space<hbm>>) dst(%arg6 : memref<2000xf32, #tpu.memory_space<vmem>>)
        tpu.yield
      }) : () -> ()
      "tpu.region"() ({
        %run_scoped3A = tpu.sem_alloc : memref<!tpu.dma_semaphore, #tpu.memory_space<semaphore_mem>>
        %dma_start3A = tpu.memref_slice %arg3[%add3A_17] : memref<320000xi32, #tpu.memory_space<hbm>> -> memref<2000xi32, #tpu.memory_space<hbm>>
        %dma_start3A_24 = tpu.memref_slice %arg3[%add3A_17] : memref<320000xi32, #tpu.memory_space<hbm>> -> memref<2000xi32, #tpu.memory_space<hbm>>
        tpu.enqueue_dma source(%dma_start3A_24 : memref<2000xi32, #tpu.memory_space<hbm>>) target(%arg7 : memref<2000xi32, #tpu.memory_space<vmem>>) target_semaphore(%run_scoped3A : memref<!tpu.dma_semaphore, #tpu.memory_space<semaphore_mem>>)
        %dma_wait3A = tpu.memref_slice %arg3[%add3A_17] : memref<320000xi32, #tpu.memory_space<hbm>> -> memref<2000xi32, #tpu.memory_space<hbm>>
        %dma_wait3A_25 = tpu.memref_slice %arg3[%add3A_17] : memref<320000xi32, #tpu.memory_space<hbm>> -> memref<2000xi32, #tpu.memory_space<hbm>>
        tpu.wait_dma2 semaphore(%run_scoped3A : memref<!tpu.dma_semaphore, #tpu.memory_space<semaphore_mem>>) src(%dma_wait3A_25 : memref<2000xi32, #tpu.memory_space<hbm>>) dst(%arg7 : memref<2000xi32, #tpu.memory_space<vmem>>)
        tpu.yield
      }) : () -> ()
      %scan3A_18 = arith.constant 0 : i32
      %scan3A_19 = arith.constant 0 : i32
      %scan3A_20 = arith.constant 125 : i32
      %scan3A_21 = arith.addi %scan3A_19, %scan3A_20 : i32
      %scan3A_22 = arith.constant 1 : i32
      scf.for %scan3A_24 = %scan3A_19 to %scan3A_21 step %scan3A_22  : i32 {
        %mul3A_25 = arith.constant 16 : i32
        %mul3A_26 = arith.muli %scan3A_24, %mul3A_25 : i32
        %get3A = arith.index_cast %mul3A_26 : i32 to index
        %get3A_27 = tpu.vector_load %arg6[%get3A] {strides = array<i32>} : memref<2000xf32, #tpu.memory_space<vmem>>, vector<16xf32>,
        %mul3A_28 = arith.constant 16 : i32
        %mul3A_29 = arith.muli %scan3A_24, %mul3A_28 : i32
        %get3A_30 = arith.index_cast %mul3A_29 : i32 to index
        %get3A_31 = tpu.vector_load %arg7[%get3A_30] {strides = array<i32>} : memref<2000xi32, #tpu.memory_space<vmem>>, vector<16xi32>,
        tpu.vector_store_idx %arg5[%get3A_31], %get3A_27 {add = true} : memref<10240xf32, #tpu.memory_space<vmem>>[vector<16xi32>], vector<16xf32>,
      }
      %scan3A_23 = arith.constant 125 : i32
    }
    %scan3A_13 = arith.constant 5 : i32
    "tpu.region"() ({
      %run_scoped3A = tpu.sem_alloc : memref<!tpu.dma_semaphore, #tpu.memory_space<semaphore_mem>>
      %dma_start3A = arith.constant 0 : i32
      %dma_start3A_14 = tpu.memref_slice %arg4[%add3A, %dma_start3A] : memref<32x10240xf32, #tpu.memory_space<hbm>> -> memref<1x10240xf32, #tpu.memory_space<hbm>>
      %dma_start3A_15 = tpu.memref_squeeze %dma_start3A_14 : memref<1x10240xf32, #tpu.memory_space<hbm>> -> memref<10240xf32, #tpu.memory_space<hbm>>
      %dma_start3A_16 = arith.constant 0 : i32
      %dma_start3A_17 = tpu.memref_slice %arg4[%add3A, %dma_start3A_16] : memref<32x10240xf32, #tpu.memory_space<hbm>> -> memref<1x10240xf32, #tpu.memory_space<hbm>>
      %dma_start3A_18 = tpu.memref_squeeze %dma_start3A_17 : memref<1x10240xf32, #tpu.memory_space<hbm>> -> memref<10240xf32, #tpu.memory_space<hbm>>
      tpu.enqueue_dma source(%arg5 : memref<10240xf32, #tpu.memory_space<vmem>>) target(%dma_start3A_18 : memref<10240xf32, #tpu.memory_space<hbm>>) target_semaphore(%run_scoped3A : memref<!tpu.dma_semaphore, #tpu.memory_space<semaphore_mem>>)
      %dma_wait3A = arith.constant 0 : i32
      %dma_wait3A_19 = tpu.memref_slice %arg4[%add3A, %dma_wait3A] : memref<32x10240xf32, #tpu.memory_space<hbm>> -> memref<1x10240xf32, #tpu.memory_space<hbm>>
      %dma_wait3A_20 = tpu.memref_squeeze %dma_wait3A_19 : memref<1x10240xf32, #tpu.memory_space<hbm>> -> memref<10240xf32, #tpu.memory_space<hbm>>
      %dma_wait3A_21 = arith.constant 0 : i32
      %dma_wait3A_22 = tpu.memref_slice %arg4[%add3A, %dma_wait3A_21] : memref<32x10240xf32, #tpu.memory_space<hbm>> -> memref<1x10240xf32, #tpu.memory_space<hbm>>
      %dma_wait3A_23 = tpu.memref_squeeze %dma_wait3A_22 : memref<1x10240xf32, #tpu.memory_space<hbm>> -> memref<10240xf32, #tpu.memory_space<hbm>>
      tpu.wait_dma2 semaphore(%run_scoped3A : memref<!tpu.dma_semaphore, #tpu.memory_space<semaphore_mem>>) src(%arg5 : memref<10240xf32, #tpu.memory_space<vmem>>) dst(%dma_wait3A_23 : memref<10240xf32, #tpu.memory_space<hbm>>)
      tpu.yield
    }) : () -> ()
    return
  }
}

module attributes {stable_mosaic.version = 14 : i64} {
  func.func @_pool_body(%arg0: i32, %arg1: memref<1xf32, #tpu.memory_space<smem>>, %arg2: memref<125x2xi32, #tpu.memory_space<smem>>, %arg3: memref<320000x128xf32, #tpu.memory_space<hbm>>, %arg4: memref<320000x1xi32, #tpu.memory_space<hbm>>, %arg5: memref<128x128xf32, #tpu.memory_space<vmem>>, %arg6: memref<1x128xf32, #tpu.memory_space<vmem>>, %arg7: memref<10240x128xf32, #tpu.memory_space<vmem>>, %arg8: memref<2560x1xf32, #tpu.memory_space<vmem>>, %arg9: memref<2x2560x128xf32, #tpu.memory_space<vmem>>, %arg10: memref<2x2560x1xi32, #tpu.memory_space<vmem>>, %arg11: memref<2x!tpu.dma_semaphore, #tpu.memory_space<semaphore_mem>>, %arg12: memref<2x!tpu.dma_semaphore, #tpu.memory_space<semaphore_mem>>) attributes {dimension_semantics = [#tpu.dimension_semantics<arbitrary>], iteration_bounds = array<i64: 125>, scalar_prefetch = 0 : i64, scratch_operands = 4 : i64, tpu.core_type = #tpu.core_type<tc>, window_params = [{transform_indices = @transform_0, window_bounds = array<i64: 1>}, {transform_indices = @transform_1, window_bounds = array<i64: 125, 2>}, {}, {}, {pipeline_mode = #tpu.pipeline_mode<synchronous>, transform_indices = @transform_4, window_bounds = array<i64: 128, 128>}, {pipeline_mode = #tpu.pipeline_mode<synchronous>, transform_indices = @transform_5, window_bounds = array<i64: 1, 128>}, {pipeline_mode = #tpu.pipeline_mode<synchronous>, transform_indices = @transform_6, window_bounds = array<i64: 10240, 128>}, {transform_indices = @transform_7, window_bounds = array<i64: 2560, 1>}]} {
    %eq3A = arith.constant 0 : i32
    %eq3A_0 = arith.cmpi eq, %arg0, %eq3A : i32
    %convert_element_type3A = arith.extui %eq3A_0 : i1 to i32
    %cond3A = arith.constant 0 : i32
    %cond3A_1 = arith.cmpi ne, %convert_element_type3A, %cond3A : i32
    scf.if %cond3A_1 {
      %broadcast_in_dim3A_106 = arith.constant 0.000000e+00 : f32
      %broadcast_in_dim3A_107 = vector.broadcast %broadcast_in_dim3A_106 : f32 to vector<10240x128xf32>
      %swap3A_108 = arith.constant 0 : index
      %swap3A_109 = arith.constant 0 : index
      %swap3A_110 = vector.load %arg7[%swap3A_108, %swap3A_109] : memref<10240x128xf32, #tpu.memory_space<vmem>>, vector<10240x128xf32>
      tpu.vector_store %arg7[%swap3A_108, %swap3A_109], %broadcast_in_dim3A_107 {strides = array<i32>} : memref<10240x128xf32, #tpu.memory_space<vmem>>, vector<10240x128xf32>,
      %dma_start3A = arith.constant 0 : i32
      %dma_start3A_111 = arith.constant 0 : i32
      %dma_start3A_112 = tpu.memref_slice %arg11[%dma_start3A_111] : memref<2x!tpu.dma_semaphore, #tpu.memory_space<semaphore_mem>> -> memref<1x!tpu.dma_semaphore, #tpu.memory_space<semaphore_mem>>
      %dma_start3A_113 = tpu.memref_squeeze %dma_start3A_112 : memref<1x!tpu.dma_semaphore, #tpu.memory_space<semaphore_mem>> -> memref<!tpu.dma_semaphore, #tpu.memory_space<semaphore_mem>>
      %dma_start3A_114 = arith.constant 0 : i32
      %dma_start3A_115 = arith.constant 0 : i32
      %dma_start3A_116 = tpu.memref_slice %arg9[%dma_start3A, %dma_start3A_114, %dma_start3A_115] : memref<2x2560x128xf32, #tpu.memory_space<vmem>> -> memref<1x2560x128xf32, #tpu.memory_space<vmem>>
      %dma_start3A_117 = tpu.memref_squeeze %dma_start3A_116 : memref<1x2560x128xf32, #tpu.memory_space<vmem>> -> memref<2560x128xf32, #tpu.memory_space<vmem>>
      %dma_start3A_118 = arith.constant 0 : i32
      %dma_start3A_119 = arith.constant 0 : i32
      %dma_start3A_120 = tpu.memref_slice %arg3[%dma_start3A_118, %dma_start3A_119] : memref<320000x128xf32, #tpu.memory_space<hbm>> -> memref<2560x128xf32, #tpu.memory_space<hbm>>
      tpu.enqueue_dma source(%dma_start3A_120 : memref<2560x128xf32, #tpu.memory_space<hbm>>) target(%dma_start3A_117 : memref<2560x128xf32, #tpu.memory_space<vmem>>) target_semaphore(%dma_start3A_113 : memref<!tpu.dma_semaphore, #tpu.memory_space<semaphore_mem>>)
      %dma_start3A_121 = arith.constant 0 : i32
      %dma_start3A_122 = arith.constant 0 : i32
      %dma_start3A_123 = tpu.memref_slice %arg12[%dma_start3A_122] : memref<2x!tpu.dma_semaphore, #tpu.memory_space<semaphore_mem>> -> memref<1x!tpu.dma_semaphore, #tpu.memory_space<semaphore_mem>>
      %dma_start3A_124 = tpu.memref_squeeze %dma_start3A_123 : memref<1x!tpu.dma_semaphore, #tpu.memory_space<semaphore_mem>> -> memref<!tpu.dma_semaphore, #tpu.memory_space<semaphore_mem>>
      %dma_start3A_125 = arith.constant 0 : i32
      %dma_start3A_126 = arith.constant 0 : i32
      %dma_start3A_127 = tpu.memref_slice %arg10[%dma_start3A_121, %dma_start3A_125, %dma_start3A_126] : memref<2x2560x1xi32, #tpu.memory_space<vmem>> -> memref<1x2560x1xi32, #tpu.memory_space<vmem>>
      %dma_start3A_128 = tpu.memref_squeeze %dma_start3A_127 : memref<1x2560x1xi32, #tpu.memory_space<vmem>> -> memref<2560x1xi32, #tpu.memory_space<vmem>>
      %dma_start3A_129 = arith.constant 0 : i32
      %dma_start3A_130 = arith.constant 0 : i32
      %dma_start3A_131 = tpu.memref_slice %arg4[%dma_start3A_129, %dma_start3A_130] : memref<320000x1xi32, #tpu.memory_space<hbm>> -> memref<2560x1xi32, #tpu.memory_space<hbm>>
      tpu.enqueue_dma source(%dma_start3A_131 : memref<2560x1xi32, #tpu.memory_space<hbm>>) target(%dma_start3A_128 : memref<2560x1xi32, #tpu.memory_space<vmem>>) target_semaphore(%dma_start3A_124 : memref<!tpu.dma_semaphore, #tpu.memory_space<semaphore_mem>>)
    } else {
    }
    %add3A = arith.constant 1 : i32
    %add3A_2 = arith.addi %arg0, %add3A : i32
    %lt3A = arith.constant 125 : i32
    %lt3A_3 = arith.cmpi slt, %add3A_2, %lt3A : i32
    %convert_element_type3A_4 = arith.extui %lt3A_3 : i1 to i32
    %cond3A_5 = arith.constant 0 : i32
    %cond3A_6 = arith.cmpi ne, %convert_element_type3A_4, %cond3A_5 : i32
    scf.if %cond3A_6 {
      %add3A_106 = arith.constant 1 : i32
      %add3A_107 = arith.addi %arg0, %add3A_106 : i32
      %jit3A_108 = arith.constant 2 : i32
      %eq3A_109 = arith.constant 0 : i32
      %eq3A_110 = arith.cmpi eq, %jit3A_108, %eq3A_109 : i32
      %jit3A_111 = arith.constant 1 : i32
      %select_n3A_112 = arith.select %eq3A_110, %jit3A_111, %jit3A_108 : i32
      %rem3A_113 = arith.remsi %add3A_107, %select_n3A_112 : i32
      %ne3A_114 = arith.constant 0 : i32
      %ne3A_115 = arith.cmpi ne, %rem3A_113, %ne3A_114 : i32
      %lt3A_116 = arith.constant 0 : i32
      %lt3A_117 = arith.cmpi slt, %rem3A_113, %lt3A_116 : i32
      %lt3A_118 = arith.constant 0 : i32
      %lt3A_119 = arith.cmpi slt, %select_n3A_112, %lt3A_118 : i32
      %ne3A_120 = arith.xori %lt3A_117, %lt3A_119 : i1
      %and3A_121 = arith.andi %ne3A_120, %ne3A_115 : i1
      %add3A_122 = arith.addi %rem3A_113, %select_n3A_112 : i32
      %select_n3A_123 = arith.select %and3A_121, %add3A_122, %rem3A_113 : i32
      %add3A_124 = arith.constant 1 : i32
      %add3A_125 = arith.addi %arg0, %add3A_124 : i32
      %mul3A_126 = arith.constant 2560 : i32
      %mul3A_127 = arith.muli %add3A_125, %mul3A_126 : i32
      %dma_start3A = tpu.memref_slice %arg11[%select_n3A_123] : memref<2x!tpu.dma_semaphore, #tpu.memory_space<semaphore_mem>> -> memref<1x!tpu.dma_semaphore, #tpu.memory_space<semaphore_mem>>
      %dma_start3A_128 = tpu.memref_squeeze %dma_start3A : memref<1x!tpu.dma_semaphore, #tpu.memory_space<semaphore_mem>> -> memref<!tpu.dma_semaphore, #tpu.memory_space<semaphore_mem>>
      %dma_start3A_129 = arith.constant 0 : i32
      %dma_start3A_130 = arith.constant 0 : i32
      %dma_start3A_131 = tpu.memref_slice %arg9[%select_n3A_123, %dma_start3A_129, %dma_start3A_130] : memref<2x2560x128xf32, #tpu.memory_space<vmem>> -> memref<1x2560x128xf32, #tpu.memory_space<vmem>>
      %dma_start3A_132 = tpu.memref_squeeze %dma_start3A_131 : memref<1x2560x128xf32, #tpu.memory_space<vmem>> -> memref<2560x128xf32, #tpu.memory_space<vmem>>
      %dma_start3A_133 = arith.constant 0 : i32
      %dma_start3A_134 = tpu.memref_slice %arg3[%mul3A_127, %dma_start3A_133] : memref<320000x128xf32, #tpu.memory_space<hbm>> -> memref<2560x128xf32, #tpu.memory_space<hbm>>
      tpu.enqueue_dma source(%dma_start3A_134 : memref<2560x128xf32, #tpu.memory_space<hbm>>) target(%dma_start3A_132 : memref<2560x128xf32, #tpu.memory_space<vmem>>) target_semaphore(%dma_start3A_128 : memref<!tpu.dma_semaphore, #tpu.memory_space<semaphore_mem>>)
      %dma_start3A_135 = tpu.memref_slice %arg12[%select_n3A_123] : memref<2x!tpu.dma_semaphore, #tpu.memory_space<semaphore_mem>> -> memref<1x!tpu.dma_semaphore, #tpu.memory_space<semaphore_mem>>
      %dma_start3A_136 = tpu.memref_squeeze %dma_start3A_135 : memref<1x!tpu.dma_semaphore, #tpu.memory_space<semaphore_mem>> -> memref<!tpu.dma_semaphore, #tpu.memory_space<semaphore_mem>>
      %dma_start3A_137 = arith.constant 0 : i32
      %dma_start3A_138 = arith.constant 0 : i32
      %dma_start3A_139 = tpu.memref_slice %arg10[%select_n3A_123, %dma_start3A_137, %dma_start3A_138] : memref<2x2560x1xi32, #tpu.memory_space<vmem>> -> memref<1x2560x1xi32, #tpu.memory_space<vmem>>
      %dma_start3A_140 = tpu.memref_squeeze %dma_start3A_139 : memref<1x2560x1xi32, #tpu.memory_space<vmem>> -> memref<2560x1xi32, #tpu.memory_space<vmem>>
      %dma_start3A_141 = arith.constant 0 : i32
      %dma_start3A_142 = tpu.memref_slice %arg4[%mul3A_127, %dma_start3A_141] : memref<320000x1xi32, #tpu.memory_space<hbm>> -> memref<2560x1xi32, #tpu.memory_space<hbm>>
      tpu.enqueue_dma source(%dma_start3A_142 : memref<2560x1xi32, #tpu.memory_space<hbm>>) target(%dma_start3A_140 : memref<2560x1xi32, #tpu.memory_space<vmem>>) target_semaphore(%dma_start3A_136 : memref<!tpu.dma_semaphore, #tpu.memory_space<semaphore_mem>>)
    } else {
    }
    %jit3A = arith.constant 2 : i32
    %eq3A_7 = arith.constant 0 : i32
    %eq3A_8 = arith.cmpi eq, %jit3A, %eq3A_7 : i32
    %jit3A_9 = arith.constant 1 : i32
    %select_n3A = arith.select %eq3A_8, %jit3A_9, %jit3A : i32
    %rem3A = arith.remsi %arg0, %select_n3A : i32
    %ne3A = arith.constant 0 : i32
    %ne3A_10 = arith.cmpi ne, %rem3A, %ne3A : i32
    %lt3A_11 = arith.constant 0 : i32
    %lt3A_12 = arith.cmpi slt, %rem3A, %lt3A_11 : i32
    %lt3A_13 = arith.constant 0 : i32
    %lt3A_14 = arith.cmpi slt, %select_n3A, %lt3A_13 : i32
    %ne3A_15 = arith.xori %lt3A_12, %lt3A_14 : i1
    %and3A = arith.andi %ne3A_15, %ne3A_10 : i1
    %add3A_16 = arith.addi %rem3A, %select_n3A : i32
    %select_n3A_17 = arith.select %and3A, %add3A_16, %rem3A : i32
    %mul3A = arith.constant 2560 : i32
    %mul3A_18 = arith.muli %arg0, %mul3A : i32
    %dma_wait3A = tpu.memref_slice %arg11[%select_n3A_17] : memref<2x!tpu.dma_semaphore, #tpu.memory_space<semaphore_mem>> -> memref<1x!tpu.dma_semaphore, #tpu.memory_space<semaphore_mem>>
    %dma_wait3A_19 = tpu.memref_squeeze %dma_wait3A : memref<1x!tpu.dma_semaphore, #tpu.memory_space<semaphore_mem>> -> memref<!tpu.dma_semaphore, #tpu.memory_space<semaphore_mem>>
    %dma_wait3A_20 = arith.constant 0 : i32
    %dma_wait3A_21 = arith.constant 0 : i32
    %dma_wait3A_22 = tpu.memref_slice %arg9[%select_n3A_17, %dma_wait3A_20, %dma_wait3A_21] : memref<2x2560x128xf32, #tpu.memory_space<vmem>> -> memref<1x2560x128xf32, #tpu.memory_space<vmem>>
    %dma_wait3A_23 = tpu.memref_squeeze %dma_wait3A_22 : memref<1x2560x128xf32, #tpu.memory_space<vmem>> -> memref<2560x128xf32, #tpu.memory_space<vmem>>
    %dma_wait3A_24 = arith.constant 0 : i32
    %dma_wait3A_25 = tpu.memref_slice %arg3[%mul3A_18, %dma_wait3A_24] : memref<320000x128xf32, #tpu.memory_space<hbm>> -> memref<2560x128xf32, #tpu.memory_space<hbm>>
    tpu.wait_dma2 semaphore(%dma_wait3A_19 : memref<!tpu.dma_semaphore, #tpu.memory_space<semaphore_mem>>) src(%dma_wait3A_25 : memref<2560x128xf32, #tpu.memory_space<hbm>>) dst(%dma_wait3A_23 : memref<2560x128xf32, #tpu.memory_space<vmem>>)
    %mul3A_26 = arith.constant 2560 : i32
    %mul3A_27 = arith.muli %arg0, %mul3A_26 : i32
    %dma_wait3A_28 = tpu.memref_slice %arg12[%select_n3A_17] : memref<2x!tpu.dma_semaphore, #tpu.memory_space<semaphore_mem>> -> memref<1x!tpu.dma_semaphore, #tpu.memory_space<semaphore_mem>>
    %dma_wait3A_29 = tpu.memref_squeeze %dma_wait3A_28 : memref<1x!tpu.dma_semaphore, #tpu.memory_space<semaphore_mem>> -> memref<!tpu.dma_semaphore, #tpu.memory_space<semaphore_mem>>
    %dma_wait3A_30 = arith.constant 0 : i32
    %dma_wait3A_31 = arith.constant 0 : i32
    %dma_wait3A_32 = tpu.memref_slice %arg10[%select_n3A_17, %dma_wait3A_30, %dma_wait3A_31] : memref<2x2560x1xi32, #tpu.memory_space<vmem>> -> memref<1x2560x1xi32, #tpu.memory_space<vmem>>
    %dma_wait3A_33 = tpu.memref_squeeze %dma_wait3A_32 : memref<1x2560x1xi32, #tpu.memory_space<vmem>> -> memref<2560x1xi32, #tpu.memory_space<vmem>>
    %dma_wait3A_34 = arith.constant 0 : i32
    %dma_wait3A_35 = tpu.memref_slice %arg4[%mul3A_27, %dma_wait3A_34] : memref<320000x1xi32, #tpu.memory_space<hbm>> -> memref<2560x1xi32, #tpu.memory_space<hbm>>
    tpu.wait_dma2 semaphore(%dma_wait3A_29 : memref<!tpu.dma_semaphore, #tpu.memory_space<semaphore_mem>>) src(%dma_wait3A_35 : memref<2560x1xi32, #tpu.memory_space<hbm>>) dst(%dma_wait3A_33 : memref<2560x1xi32, #tpu.memory_space<vmem>>)
    %get3A = arith.index_cast %select_n3A_17 : i32 to index
    %get3A_36 = arith.constant 0 : index
    %get3A_37 = arith.constant 0 : index
    %get3A_38 = vector.load %arg9[%get3A, %get3A_36, %get3A_37] : memref<2x2560x128xf32, #tpu.memory_space<vmem>>, vector<1x2560x128xf32>
    %get3A_39 = vector.shape_cast %get3A_38 : vector<1x2560x128xf32> to vector<2560x128xf32>
    %get3A_40 = arith.index_cast %select_n3A_17 : i32 to index
    %get3A_41 = arith.constant 0 : index
    %get3A_42 = arith.constant 0 : index
    %get3A_43 = vector.load %arg10[%get3A_40, %get3A_41, %get3A_42] : memref<2x2560x1xi32, #tpu.memory_space<vmem>>, vector<1x2560x1xi32>
    %get3A_44 = vector.shape_cast %get3A_43 : vector<1x2560x1xi32> to vector<2560x1xi32>
    %get3A_45 = arith.constant 0 : index
    %get3A_46 = arith.constant 0 : index
    %get3A_47 = vector.load %arg5[%get3A_45, %get3A_46] : memref<128x128xf32, #tpu.memory_space<vmem>>, vector<128x128xf32>
    %convert_element_type3A_48 = arith.truncf %get3A_47 : vector<128x128xf32> to vector<128x128xbf16>
    %get3A_49 = arith.constant 0 : index
    %get3A_50 = arith.constant 0 : index
    %get3A_51 = vector.load %arg6[%get3A_49, %get3A_50] : memref<1x128xf32, #tpu.memory_space<vmem>>, vector<1x128xf32>
    %convert_element_type3A_52 = arith.truncf %get3A_51 : vector<1x128xf32> to vector<1x128xbf16>
    %convert_element_type3A_53 = arith.truncf %get3A_39 : vector<2560x128xf32> to vector<2560x128xbf16>
    %dot_general3A = arith.constant dense<0.000000e+00> : vector<128x1xf32>
    %dot_general3A_54 = tpu.matmul %convert_element_type3A_48, %convert_element_type3A_52, %dot_general3A {dimension_numbers = #tpu.dot_dimension_numbers<[0], [1], [1], [0], [0, 1, 1, 0], [], []>, transpose_lhs_hint = true} : vector<128x128xbf16>, vector<1x128xbf16>, vector<128x1xf32> -> vector<128x1xf32>
    %convert_element_type3A_55 = arith.truncf %dot_general3A_54 : vector<128x1xf32> to vector<128x1xbf16>
    %dot_general3A_56 = arith.constant dense<0.000000e+00> : vector<2560x1xf32>
    %dot_general3A_57 = tpu.matmul %convert_element_type3A_53, %convert_element_type3A_55, %dot_general3A_56 {dimension_numbers = #tpu.dot_dimension_numbers<[1], [0], [0], [1], [0, 0, 1, 1], [], []>, transpose_lhs_hint = false} : vector<2560x128xbf16>, vector<128x1xbf16>, vector<2560x1xf32> -> vector<2560x1xf32>
    %get3A_58 = arith.constant 0 : index
    %get3A_59 = memref.load %arg1[%get3A_58] : memref<1xf32, #tpu.memory_space<smem>>
    %add3A_60 = vector.broadcast %get3A_59 : f32 to vector<2560x1xf32>
    %add3A_61 = arith.addf %dot_general3A_57, %add3A_60 : vector<2560x1xf32>
    %ge3A = arith.constant 0.000000e+00 : f32
    %ge3A_62 = vector.broadcast %ge3A : f32 to vector<2560x1xf32>
    %ge3A_63 = arith.cmpf oge, %add3A_61, %ge3A_62 : vector<2560x1xf32>
    %mul3A_64 = arith.constant 2.000000e-01 : f32
    %mul3A_65 = vector.broadcast %mul3A_64 : f32 to vector<2560x1xf32>
    %mul3A_66 = arith.mulf %mul3A_65, %add3A_61 : vector<2560x1xf32>
    %select_n3A_67 = arith.select %ge3A_63, %add3A_61, %mul3A_66 : vector<2560x1xi1>, vector<2560x1xf32>
    %exp3A = math.exp %select_n3A_67 : vector<2560x1xf32>
    %swap3A = arith.constant 0 : index
    %swap3A_68 = arith.constant 0 : index
    %swap3A_69 = vector.load %arg8[%swap3A, %swap3A_68] : memref<2560x1xf32, #tpu.memory_space<vmem>>, vector<2560x1xf32>
    tpu.vector_store %arg8[%swap3A, %swap3A_68], %exp3A {strides = array<i32>} : memref<2560x1xf32, #tpu.memory_space<vmem>>, vector<2560x1xf32>,
    %get3A_70 = arith.index_cast %arg0 : i32 to index
    %get3A_71 = arith.constant 0 : index
    %get3A_72 = memref.load %arg2[%get3A_70, %get3A_71] : memref<125x2xi32, #tpu.memory_space<smem>>
    %get3A_73 = arith.index_cast %arg0 : i32 to index
    %get3A_74 = arith.constant 1 : index
    %get3A_75 = memref.load %arg2[%get3A_73, %get3A_74] : memref<125x2xi32, #tpu.memory_space<smem>>
    %iota3A = tpu.iota {dimensions = array<i32: 1>} : vector<2560x128xi32>
    %mul3A_76 = arith.constant 128 : i32
    %mul3A_77 = arith.muli %get3A_72, %mul3A_76 : i32
    %sub3A = vector.broadcast %mul3A_77 : i32 to vector<2560x1xi32>
    %sub3A_78 = arith.subi %get3A_44, %sub3A : vector<2560x1xi32>
    %eq3A_79 = vector.broadcast %sub3A_78 : vector<2560x1xi32> to vector<2560x128xi32>
    %eq3A_80 = arith.cmpi eq, %eq3A_79, %iota3A : vector<2560x128xi32>
    %jit3A_81 = arith.constant 0.000000e+00 : f32
    %broadcast_in_dim3A = vector.shape_cast %exp3A : vector<2560x1xf32> to vector<2560x1xf32>
    %broadcast_in_dim3A_82 = vector.broadcast %broadcast_in_dim3A : vector<2560x1xf32> to vector<2560x128xf32>
    %broadcast_in_dim3A_83 = vector.broadcast %jit3A_81 : f32 to vector<2560x128xf32>
    %select_n3A_84 = arith.select %eq3A_80, %broadcast_in_dim3A_82, %broadcast_in_dim3A_83 : vector<2560x128xi1>, vector<2560x128xf32>
    %convert_element_type3A_85 = arith.truncf %select_n3A_84 : vector<2560x128xf32> to vector<2560x128xbf16>
    %dot_general3A_86 = arith.constant dense<0.000000e+00> : vector<128x128xf32>
    %dot_general3A_87 = tpu.matmul %convert_element_type3A_85, %convert_element_type3A_53, %dot_general3A_86 {dimension_numbers = #tpu.dot_dimension_numbers<[0], [0], [1], [1], [0, 1, 1, 1], [], []>, transpose_lhs_hint = true} : vector<2560x128xbf16>, vector<2560x128xbf16>, vector<128x128xf32> -> vector<128x128xf32>
    %mul3A_88 = arith.constant 128 : i32
    %mul3A_89 = arith.muli %get3A_72, %mul3A_88 : i32
    %multiple_of3A = tpu.assume_multiple %mul3A_89, 128 : i32
    %get3A_90 = arith.index_cast %multiple_of3A : i32 to index
    %get3A_91 = arith.constant 0 : index
    %get3A_92 = vector.load %arg7[%get3A_90, %get3A_91] : memref<10240x128xf32, #tpu.memory_space<vmem>>, vector<128x128xf32>
    %add3A_93 = arith.addf %get3A_92, %dot_general3A_87 : vector<128x128xf32>
    %swap3A_94 = arith.index_cast %multiple_of3A : i32 to index
    %swap3A_95 = arith.constant 0 : index
    %swap3A_96 = vector.load %arg7[%swap3A_94, %swap3A_95] : memref<10240x128xf32, #tpu.memory_space<vmem>>, vector<128x128xf32>
    tpu.vector_store %arg7[%swap3A_94, %swap3A_95], %add3A_93 {strides = array<i32>} : memref<10240x128xf32, #tpu.memory_space<vmem>>, vector<128x128xf32>,
    %gt3A = arith.cmpi sgt, %get3A_75, %get3A_72 : i32
    %convert_element_type3A_97 = arith.extui %gt3A : i1 to i32
    %cond3A_98 = arith.constant 0 : i32
    %cond3A_99 = arith.cmpi ne, %convert_element_type3A_97, %cond3A_98 : i32
    scf.if %cond3A_99 {
      %add3A_106 = arith.constant 1 : i32
      %add3A_107 = arith.addi %get3A_72, %add3A_106 : i32
      %mul3A_108 = arith.constant 128 : i32
      %mul3A_109 = arith.muli %add3A_107, %mul3A_108 : i32
      %sub3A_110 = vector.broadcast %mul3A_109 : i32 to vector<2560x1xi32>
      %sub3A_111 = arith.subi %get3A_44, %sub3A_110 : vector<2560x1xi32>
      %eq3A_112 = vector.broadcast %sub3A_111 : vector<2560x1xi32> to vector<2560x128xi32>
      %eq3A_113 = arith.cmpi eq, %eq3A_112, %iota3A : vector<2560x128xi32>
      %jit3A_114 = arith.constant 0.000000e+00 : f32
      %broadcast_in_dim3A_115 = vector.shape_cast %exp3A : vector<2560x1xf32> to vector<2560x1xf32>
      %broadcast_in_dim3A_116 = vector.broadcast %broadcast_in_dim3A_115 : vector<2560x1xf32> to vector<2560x128xf32>
      %broadcast_in_dim3A_117 = vector.broadcast %jit3A_114 : f32 to vector<2560x128xf32>
      %select_n3A_118 = arith.select %eq3A_113, %broadcast_in_dim3A_116, %broadcast_in_dim3A_117 : vector<2560x128xi1>, vector<2560x128xf32>
      %convert_element_type3A_119 = arith.truncf %select_n3A_118 : vector<2560x128xf32> to vector<2560x128xbf16>
      %dot_general3A_120 = arith.constant dense<0.000000e+00> : vector<128x128xf32>
      %dot_general3A_121 = tpu.matmul %convert_element_type3A_119, %convert_element_type3A_53, %dot_general3A_120 {dimension_numbers = #tpu.dot_dimension_numbers<[0], [0], [1], [1], [0, 1, 1, 1], [], []>, transpose_lhs_hint = true} : vector<2560x128xbf16>, vector<2560x128xbf16>, vector<128x128xf32> -> vector<128x128xf32>
      %mul3A_122 = arith.constant 128 : i32
      %mul3A_123 = arith.muli %add3A_107, %mul3A_122 : i32
      %multiple_of3A_124 = tpu.assume_multiple %mul3A_123, 128 : i32
      %get3A_125 = arith.index_cast %multiple_of3A_124 : i32 to index
      %get3A_126 = arith.constant 0 : index
      %get3A_127 = vector.load %arg7[%get3A_125, %get3A_126] : memref<10240x128xf32, #tpu.memory_space<vmem>>, vector<128x128xf32>
      %add3A_128 = arith.addf %get3A_127, %dot_general3A_121 : vector<128x128xf32>
      %swap3A_129 = arith.index_cast %multiple_of3A_124 : i32 to index
      %swap3A_130 = arith.constant 0 : index
      %swap3A_131 = vector.load %arg7[%swap3A_129, %swap3A_130] : memref<10240x128xf32, #tpu.memory_space<vmem>>, vector<128x128xf32>
      tpu.vector_store %arg7[%swap3A_129, %swap3A_130], %add3A_128 {strides = array<i32>} : memref<10240x128xf32, #tpu.memory_space<vmem>>, vector<128x128xf32>,
    } else {
    }
    %add3A_100 = arith.constant 1 : i32
    %add3A_101 = arith.addi %get3A_72, %add3A_100 : i32
    %gt3A_102 = arith.cmpi sgt, %get3A_75, %add3A_101 : i32
    %convert_element_type3A_103 = arith.extui %gt3A_102 : i1 to i32
    %cond3A_104 = arith.constant 0 : i32
    %cond3A_105 = arith.cmpi ne, %convert_element_type3A_103, %cond3A_104 : i32
    scf.if %cond3A_105 {
      %add3A_106 = arith.constant 2 : i32
      %add3A_107 = arith.addi %get3A_72, %add3A_106 : i32
      %add3A_108 = arith.constant 1 : i32
      %add3A_109 = arith.addi %get3A_75, %add3A_108 : i32
      %while3A = arith.constant 0 : i32
      %while3A_110 = arith.subi %add3A_109, %add3A_107 : i32
      %while3A_111 = arith.addi %add3A_107, %while3A_110 : i32
      %while3A_112 = arith.constant 1 : i32
      %while3A_113 = arith.divsi %while3A_110, %while3A_112 : i32
      %while3A_114 = arith.muli %while3A_113, %while3A_112 : i32
      %while3A_115 = arith.addi %add3A_107, %while3A_114 : i32
      %while3A_116 = arith.constant 1 : i32
      scf.for %while3A_118 = %add3A_107 to %while3A_115 step %while3A_116  : i32 {
        %mul3A_119 = arith.constant 128 : i32
        %mul3A_120 = arith.muli %while3A_118, %mul3A_119 : i32
        %sub3A_121 = vector.broadcast %mul3A_120 : i32 to vector<2560x1xi32>
        %sub3A_122 = arith.subi %get3A_44, %sub3A_121 : vector<2560x1xi32>
        %eq3A_123 = vector.broadcast %sub3A_122 : vector<2560x1xi32> to vector<2560x128xi32>
        %eq3A_124 = arith.cmpi eq, %eq3A_123, %iota3A : vector<2560x128xi32>
        %jit3A_125 = arith.constant 0.000000e+00 : f32
        %broadcast_in_dim3A_126 = vector.shape_cast %exp3A : vector<2560x1xf32> to vector<2560x1xf32>
        %broadcast_in_dim3A_127 = vector.broadcast %broadcast_in_dim3A_126 : vector<2560x1xf32> to vector<2560x128xf32>
        %broadcast_in_dim3A_128 = vector.broadcast %jit3A_125 : f32 to vector<2560x128xf32>
        %select_n3A_129 = arith.select %eq3A_124, %broadcast_in_dim3A_127, %broadcast_in_dim3A_128 : vector<2560x128xi1>, vector<2560x128xf32>
        %convert_element_type3A_130 = arith.truncf %select_n3A_129 : vector<2560x128xf32> to vector<2560x128xbf16>
        %dot_general3A_131 = arith.constant dense<0.000000e+00> : vector<128x128xf32>
        %dot_general3A_132 = tpu.matmul %convert_element_type3A_130, %convert_element_type3A_53, %dot_general3A_131 {dimension_numbers = #tpu.dot_dimension_numbers<[0], [0], [1], [1], [0, 1, 1, 1], [], []>, transpose_lhs_hint = true} : vector<2560x128xbf16>, vector<2560x128xbf16>, vector<128x128xf32> -> vector<128x128xf32>
        %mul3A_133 = arith.constant 128 : i32
        %mul3A_134 = arith.muli %while3A_118, %mul3A_133 : i32
        %multiple_of3A_135 = tpu.assume_multiple %mul3A_134, 128 : i32
        %get3A_136 = arith.index_cast %multiple_of3A_135 : i32 to index
        %get3A_137 = arith.constant 0 : index
        %get3A_138 = vector.load %arg7[%get3A_136, %get3A_137] : memref<10240x128xf32, #tpu.memory_space<vmem>>, vector<128x128xf32>
        %add3A_139 = arith.addf %get3A_138, %dot_general3A_132 : vector<128x128xf32>
        %swap3A_140 = arith.index_cast %multiple_of3A_135 : i32 to index
        %swap3A_141 = arith.constant 0 : index
        %swap3A_142 = vector.load %arg7[%swap3A_140, %swap3A_141] : memref<10240x128xf32, #tpu.memory_space<vmem>>, vector<128x128xf32>
        tpu.vector_store %arg7[%swap3A_140, %swap3A_141], %add3A_139 {strides = array<i32>} : memref<10240x128xf32, #tpu.memory_space<vmem>>, vector<128x128xf32>,
      }
      %while3A_117 = arith.constant 1 : i32
      scf.for %while3A_118 = %while3A_115 to %while3A_111 step %while3A_117  : i32 {
        %mul3A_119 = arith.constant 128 : i32
        %mul3A_120 = arith.muli %while3A_118, %mul3A_119 : i32
        %sub3A_121 = vector.broadcast %mul3A_120 : i32 to vector<2560x1xi32>
        %sub3A_122 = arith.subi %get3A_44, %sub3A_121 : vector<2560x1xi32>
        %eq3A_123 = vector.broadcast %sub3A_122 : vector<2560x1xi32> to vector<2560x128xi32>
        %eq3A_124 = arith.cmpi eq, %eq3A_123, %iota3A : vector<2560x128xi32>
        %jit3A_125 = arith.constant 0.000000e+00 : f32
        %broadcast_in_dim3A_126 = vector.shape_cast %exp3A : vector<2560x1xf32> to vector<2560x1xf32>
        %broadcast_in_dim3A_127 = vector.broadcast %broadcast_in_dim3A_126 : vector<2560x1xf32> to vector<2560x128xf32>
        %broadcast_in_dim3A_128 = vector.broadcast %jit3A_125 : f32 to vector<2560x128xf32>
        %select_n3A_129 = arith.select %eq3A_124, %broadcast_in_dim3A_127, %broadcast_in_dim3A_128 : vector<2560x128xi1>, vector<2560x128xf32>
        %convert_element_type3A_130 = arith.truncf %select_n3A_129 : vector<2560x128xf32> to vector<2560x128xbf16>
        %dot_general3A_131 = arith.constant dense<0.000000e+00> : vector<128x128xf32>
        %dot_general3A_132 = tpu.matmul %convert_element_type3A_130, %convert_element_type3A_53, %dot_general3A_131 {dimension_numbers = #tpu.dot_dimension_numbers<[0], [0], [1], [1], [0, 1, 1, 1], [], []>, transpose_lhs_hint = true} : vector<2560x128xbf16>, vector<2560x128xbf16>, vector<128x128xf32> -> vector<128x128xf32>
        %mul3A_133 = arith.constant 128 : i32
        %mul3A_134 = arith.muli %while3A_118, %mul3A_133 : i32
        %multiple_of3A_135 = tpu.assume_multiple %mul3A_134, 128 : i32
        %get3A_136 = arith.index_cast %multiple_of3A_135 : i32 to index
        %get3A_137 = arith.constant 0 : index
        %get3A_138 = vector.load %arg7[%get3A_136, %get3A_137] : memref<10240x128xf32, #tpu.memory_space<vmem>>, vector<128x128xf32>
        %add3A_139 = arith.addf %get3A_138, %dot_general3A_132 : vector<128x128xf32>
        %swap3A_140 = arith.index_cast %multiple_of3A_135 : i32 to index
        %swap3A_141 = arith.constant 0 : index
        %swap3A_142 = vector.load %arg7[%swap3A_140, %swap3A_141] : memref<10240x128xf32, #tpu.memory_space<vmem>>, vector<128x128xf32>
        tpu.vector_store %arg7[%swap3A_140, %swap3A_141], %add3A_139 {strides = array<i32>} : memref<10240x128xf32, #tpu.memory_space<vmem>>, vector<128x128xf32>,
      }
    } else {
    }
    return
  }
  func.func @transform_0(%arg0: i32) -> i32 {
    %c0_i32 = arith.constant 0 : i32
    %c0_i32_0 = arith.constant 0 : i32
    return %c0_i32 : i32
  }
  func.func @transform_1(%arg0: i32) -> (i32, i32) {
    %c0_i32 = arith.constant 0 : i32
    %c0_i32_0 = arith.constant 0 : i32
    %c0_i32_1 = arith.constant 0 : i32
    return %c0_i32, %c0_i32_0 : i32, i32
  }
  func.func @transform_4(%arg0: i32) -> (i32, i32) {
    %c0_i32 = arith.constant 0 : i32
    %c0_i32_0 = arith.constant 0 : i32
    %c0_i32_1 = arith.constant 0 : i32
    return %c0_i32, %c0_i32_0 : i32, i32
  }
  func.func @transform_5(%arg0: i32) -> (i32, i32) {
    %c0_i32 = arith.constant 0 : i32
    %c0_i32_0 = arith.constant 0 : i32
    %c0_i32_1 = arith.constant 0 : i32
    return %c0_i32, %c0_i32_0 : i32, i32
  }
  func.func @transform_6(%arg0: i32) -> (i32, i32) {
    %c0_i32 = arith.constant 0 : i32
    %c0_i32_0 = arith.constant 0 : i32
    %c0_i32_1 = arith.constant 0 : i32
    return %c0_i32, %c0_i32_0 : i32, i32
  }
  func.func @transform_7(%arg0: i32) -> (i32, i32) {
    %c0_i32 = arith.constant 0 : i32
    %c0_i32_0 = arith.constant 0 : i32
    return %arg0, %c0_i32 : i32, i32
  }
}

module attributes {stable_mosaic.version = 14 : i64} {
  func.func @_proj_body(%arg0: i32, %arg1: memref<128x128xf32, #tpu.memory_space<vmem>>, %arg2: memref<128x1xf32, #tpu.memory_space<vmem>>, %arg3: memref<128x128xf32, #tpu.memory_space<vmem>>, %arg4: memref<1x128xf32, #tpu.memory_space<vmem>>, %arg5: memref<128x128xf32, #tpu.memory_space<vmem>>) attributes {dimension_semantics = [#tpu.dimension_semantics<arbitrary>], iteration_bounds = array<i64: 80>, scalar_prefetch = 0 : i64, scratch_operands = 0 : i64, tpu.core_type = #tpu.core_type<tc>, window_params = [{transform_indices = @transform_0, window_bounds = array<i64: 128, 128>}, {transform_indices = @transform_1, window_bounds = array<i64: 128, 1>}, {pipeline_mode = #tpu.pipeline_mode<synchronous>, transform_indices = @transform_2, window_bounds = array<i64: 128, 128>}, {pipeline_mode = #tpu.pipeline_mode<synchronous>, transform_indices = @transform_3, window_bounds = array<i64: 1, 128>}, {transform_indices = @transform_4, window_bounds = array<i64: 128, 128>}]} {
    %get3A = arith.constant 0 : index
    %get3A_0 = arith.constant 0 : index
    %get3A_1 = vector.load %arg2[%get3A, %get3A_0] : memref<128x1xf32, #tpu.memory_space<vmem>>, vector<128x1xf32>
    %gt3A = arith.constant 0.000000e+00 : f32
    %gt3A_2 = vector.broadcast %gt3A : f32 to vector<128x1xf32>
    %gt3A_3 = arith.cmpf ogt, %get3A_1, %gt3A_2 : vector<128x1xf32>
    %get3A_4 = arith.constant 0 : index
    %get3A_5 = arith.constant 0 : index
    %get3A_6 = vector.load %arg1[%get3A_4, %get3A_5] : memref<128x128xf32, #tpu.memory_space<vmem>>, vector<128x128xf32>
    %jit3A = arith.constant 1.000000e+00 : f32
    %broadcast_in_dim3A = vector.broadcast %jit3A : f32 to vector<128x1xf32>
    %select_n3A = arith.select %gt3A_3, %get3A_1, %broadcast_in_dim3A : vector<128x1xi1>, vector<128x1xf32>
    %div3A = vector.broadcast %select_n3A : vector<128x1xf32> to vector<128x128xf32>
    %div3A_7 = arith.divf %get3A_6, %div3A : vector<128x128xf32>
    %jit3A_8 = arith.constant 0.000000e+00 : f32
    %broadcast_in_dim3A_9 = vector.shape_cast %gt3A_3 : vector<128x1xi1> to vector<128x1xi1>
    %broadcast_in_dim3A_10 = vector.broadcast %broadcast_in_dim3A_9 : vector<128x1xi1> to vector<128x128xi1>
    %broadcast_in_dim3A_11 = vector.broadcast %jit3A_8 : f32 to vector<128x128xf32>
    %select_n3A_12 = arith.select %broadcast_in_dim3A_10, %div3A_7, %broadcast_in_dim3A_11 : vector<128x128xi1>, vector<128x128xf32>
    %get3A_13 = arith.constant 0 : index
    %get3A_14 = arith.constant 0 : index
    %get3A_15 = vector.load %arg3[%get3A_13, %get3A_14] : memref<128x128xf32, #tpu.memory_space<vmem>>, vector<128x128xf32>
    %dot_general3A = arith.constant dense<0.000000e+00> : vector<128x128xf32>
    %dot_general3A_16 = tpu.matmul %select_n3A_12, %get3A_15, %dot_general3A {dimension_numbers = #tpu.dot_dimension_numbers<[1], [1], [0], [0], [0, 0, 1, 0], [], []>, transpose_lhs_hint = false} : vector<128x128xf32>, vector<128x128xf32>, vector<128x128xf32> -> vector<128x128xf32>
    %jit3A_17 = arith.constant 1.000000e+00 : f32
    %jit3A_18 = arith.constant 0.000000e+00 : f32
    %broadcast_in_dim3A_19 = vector.broadcast %jit3A_17 : f32 to vector<128x1xf32>
    %broadcast_in_dim3A_20 = vector.broadcast %jit3A_18 : f32 to vector<128x1xf32>
    %select_n3A_21 = arith.select %gt3A_3, %broadcast_in_dim3A_19, %broadcast_in_dim3A_20 : vector<128x1xi1>, vector<128x1xf32>
    %get3A_22 = arith.constant 0 : index
    %get3A_23 = arith.constant 0 : index
    %get3A_24 = vector.load %arg4[%get3A_22, %get3A_23] : memref<1x128xf32, #tpu.memory_space<vmem>>, vector<1x128xf32>
    %mul3A = vector.broadcast %select_n3A_21 : vector<128x1xf32> to vector<128x128xf32>
    %mul3A_25 = vector.broadcast %get3A_24 : vector<1x128xf32> to vector<128x128xf32>
    %mul3A_26 = arith.mulf %mul3A, %mul3A_25 : vector<128x128xf32>
    %add3A = arith.addf %dot_general3A_16, %mul3A_26 : vector<128x128xf32>
    %swap3A = arith.constant 0 : index
    %swap3A_27 = arith.constant 0 : index
    %swap3A_28 = vector.load %arg5[%swap3A, %swap3A_27] : memref<128x128xf32, #tpu.memory_space<vmem>>, vector<128x128xf32>
    tpu.vector_store %arg5[%swap3A, %swap3A_27], %add3A {strides = array<i32>} : memref<128x128xf32, #tpu.memory_space<vmem>>, vector<128x128xf32>,
    return
  }
  func.func @transform_0(%arg0: i32) -> (i32, i32) {
    %c0_i32 = arith.constant 0 : i32
    %c0_i32_0 = arith.constant 0 : i32
    return %arg0, %c0_i32 : i32, i32
  }
  func.func @transform_1(%arg0: i32) -> (i32, i32) {
    %c0_i32 = arith.constant 0 : i32
    %c0_i32_0 = arith.constant 0 : i32
    return %arg0, %c0_i32 : i32, i32
  }
  func.func @transform_2(%arg0: i32) -> (i32, i32) {
    %c0_i32 = arith.constant 0 : i32
    %c0_i32_0 = arith.constant 0 : i32
    %c0_i32_1 = arith.constant 0 : i32
    return %c0_i32, %c0_i32_0 : i32, i32
  }
  func.func @transform_3(%arg0: i32) -> (i32, i32) {
    %c0_i32 = arith.constant 0 : i32
    %c0_i32_0 = arith.constant 0 : i32
    %c0_i32_1 = arith.constant 0 : i32
    return %c0_i32, %c0_i32_0 : i32, i32
  }
  func.func @transform_4(%arg0: i32) -> (i32, i32) {
    %c0_i32 = arith.constant 0 : i32
    %c0_i32_0 = arith.constant 0 : i32
    return %arg0, %c0_i32 : i32, i32
  }
}

</mosaic_0001>

<sc_bundles>
// kernel: kernel.5.cloned.1.call-start
scs
__scs_entry_jumppad:
0x0: {  	(pc) =	sbr.rel $0x88, $3  }
0x1: {  	(tag) =	ssettag $0x0;
	lr =	simm.s32 $0x1  }
0x2: {  	[smem:$0x3F9A] =	sst lr;
	_ =	strace $0xD0000000  }
0x3: {  	_ = 	snop  }
0x4: {  	_ = 	snop  }
0x5: {  	_ = 	snop  }
0x6: {  	_ = 	snop  }
0x7: {  	_ = 	snop  }
__scs_overlays_trampoline_lowered:
0x8: {  	[smem:$0x3FA9] =	sst s0  }
0x9: {  	[smem:$0x3FAA] =	sst s1  }
0xa: {  	[smem:$0x3FAB] =	sst s2  }
0xb: {  	[smem:$0x3FAC] =	sst s3  }
0xc: {  	[smem:$0x3FAD] =	sst s4  }
0xd: {  	[smem:$0x3FAE] =	sst s5  }
0xe: {  	[smem:$0x3FAF] =	sst s6  }
0xf: {  	[smem:$0x3FB0] =	sst s7  }
0x10: {  	[smem:$0x3FB1] =	sst s8  }
0x11: {  	[smem:$0x3FB2] =	sst s9;
	s0 =	simm.s32 @!p0 $0x0  }
0x12: {  	s1 =	sld [smem:$0x3F98];
	s0 =	simm.s32 @p0 $0x1  }
0x13: {  	[smem:$0x3FB3] =	sst s0;
	s0 =	simm.s32 @!p1 $0x0  }
0x14: {  	s2 =	sld [smem:$0x3F97];
	s0 =	simm.s32 @p1 $0x1  }
0x15: {  	[smem:$0x3FB4] =	sst s0;
	s0 =	simm.s32 @!p2 $0x0  }
0x16: {  	s3 =	sld [smem:$0x3FDB];
	s0 =	simm.s32 @p2 $0x1  }
0x17: {  	s4 =	simm.s32 $0x1BF5;
	[smem:$0x3FB6] =	sst s0  }
0x18: {  	s0 =	sld [smem:$0x3F99];
	_ =	swait.ge [sflag:s4], $0x0  }
0x19: {  	s7 =	sld [smem:$0x3F9A]  }
0x1a: {  	s8 =	sadd.s32 $0xFFFFE003, lr  }
0x1b: {  	s9 =	sadd.s32 $0xFFFFFEF7, lr;
	s5 =	simm.s32 $0xFFFFFFFF;
	p2 =	slt.u32 s8, $0xFFFFF086  }
0x1c: {  	p1 =	slt.u32 s9, $0xF7A;
	s5 =	simm.s32 @!p2 $0x0  }
0x1d: {  	s5 =	simm.s32 @p1 $0x1;
	p0 =	seq.s32 s7, s2  }
0x1e: {  	s7 =	smul.u32 @!p0 $0xF7A, s2;
	p2 =	seq.s32 @!p0 s5, $0x0  }
0x1f: {  	s9 =	smul.u32 $0xF7A, s1;
	s8 =	simm.s32 @!p0 $0x1BF5;
	p2 =	por !p2, p0  }
0x20: {  	[sflag:s8] =	ssyncset.s32 @!p0 $0xFFFFF086;
	s6 =	sadd.s32 @!p0 s3, s7;
	s7 =	simm.s32 @!p0 $0x108  }
0x21: {  	s3 =	sadd.s32 s3, s9;
	s6 =	sadd.s32 @!p0 $0x88, s6;
	s7 =	simm.s32 @p2 $0x1082  }
0x22: {  	[simem:s7], [sflag:s8] =	dma.local @!p0 [hbm:s6], $0xF7A  }
0x23: {  	s9 =	sor.u32 $0xD0000000, s2;
	s6 =	simm.s32 $0x108;
	_ =	swait.ge @!p0 [sflag:s8], $0x0  }
0x24: {  	s3 =	sadd.s32 $0x88, s3;
	s6 =	simm.s32 @!p1 $0x1082;
	[sflag:s4] =	ssyncset.s32 $0xFFFFF086  }
0x25: {  	[simem:s6], [sflag:s4] =	dma.local [hbm:s3], $0xF7A  }
0x26: {  	[smem:$0x3F9A] =	sst s1;
	(tag) =	ssettag s2;
	_ =	strace s9  }
0x27: {  	s1 =	sld [smem:$0x3FAA]  }
0x28: {  	s2 =	sld [smem:$0x3FAB]  }
0x29: {  	s4 =	sld [smem:$0x3FAD]  }
0x2a: {  	p0 =	seq.s32 s5, $0x0;
	s5 =	sld [smem:$0x3FAE]  }
0x2b: {  	s6 =	sld [smem:$0x3FAF]  }
0x2c: {  	s7 =	sld [smem:$0x3FB0]  }
0x2d: {  	s3 =	simm.s32 $0x108;
	s8 =	sld [smem:$0x3FB1]  }
0x2e: {  	s3 =	simm.s32 @!p0 $0x1082;
	s9 =	sld [smem:$0x3FB2]  }
0x2f: {  	lr =	sadd.s32 s0, s3;
	s0 =	sld [smem:$0x3FA9]  }
0x30: {  	s3 =	sld [smem:$0x3FAC]  }
0x31: {  	[smem:$0x3FB5] =	sst s10  }
0x32: {  	s10 =	sld [smem:$0x3FB3];
	_ =	sdelay $0x3  }
0x33: {  	p0 =	seq.s32 s10, $0x1;
	s10 =	sld [smem:$0x3FB5];
	_ =	sdelay $0x3  }
0x34: {  	[smem:$0x3FB5] =	sst s10  }
0x35: {  	s10 =	sld [smem:$0x3FB4];
	_ =	sdelay $0x3  }
0x36: {  	p1 =	seq.s32 s10, $0x1;
	s10 =	sld [smem:$0x3FB5];
	_ =	sdelay $0x3  }
0x37: {  	[smem:$0x3FB5] =	sst s10  }
0x38: {  	s10 =	sld [smem:$0x3FB6]  }
0x39: {  	_ = 	snop;
	(pc) =	sbr.ind lr, $3  }
0x3a: {  	_ = 	snop  }
0x3b: {  	_ = 	snop  }
0x3c: {  	p2 =	seq.s32 s10, $0x1;
	s10 =	sld [smem:$0x3FB5]  }
0x3d: {  	_ =	shalt  }
0x3e: {  	_ =	shalt  }
0x3f: {  	_ =	shalt  }
0x40: {  	_ =	shalt  }
0x41: {  	_ =	shalt  }
0x42: {  	_ =	shalt  }
0x43: {  	_ =	shalt  }
0x44: {  	_ =	shalt  }
0x45: {  	_ =	shalt  }
0x46: {  	_ =	shalt  }
0x47: {  	_ =	shalt  }
0x48: {  	_ =	shalt  }
0x49: {  	_ =	shalt  }
0x4a: {  	_ =	shalt  }
0x4b: {  	_ =	shalt  }
0x4c: {  	_ =	shalt  }
0x4d: {  	_ =	shalt  }
0x4e: {  	_ =	shalt  }
0x4f: {  	_ =	shalt  }
0x50: {  	_ =	shalt  }
0x51: {  	_ =	shalt  }
0x52: {  	_ =	shalt  }
0x53: {  	_ =	shalt  }
0x54: {  	_ =	shalt  }
0x55: {  	_ =	shalt  }
0x56: {  	_ =	shalt  }
0x57: {  	_ =	shalt  }
0x58: {  	_ =	shalt  }
0x59: {  	_ =	shalt  }
0x5a: {  	_ =	shalt  }
0x5b: {  	_ =	shalt  }
0x5c: {  	_ =	shalt  }
0x5d: {  	_ =	shalt  }
0x5e: {  	_ =	shalt  }
0x5f: {  	_ =	shalt  }
0x60: {  	_ =	shalt  }
0x61: {  	_ =	shalt  }
0x62: {  	_ =	shalt  }
0x63: {  	_ =	shalt  }
0x64: {  	_ =	shalt  }
0x65: {  	_ =	shalt  }
0x66: {  	_ =	shalt  }
0x67: {  	_ =	shalt  }
0x68: {  	_ =	shalt  }
0x69: {  	_ =	shalt  }
0x6a: {  	_ =	shalt  }
0x6b: {  	_ =	shalt  }
0x6c: {  	_ =	shalt  }
0x6d: {  	_ =	shalt  }
0x6e: {  	_ =	shalt  }
0x6f: {  	_ =	shalt  }
0x70: {  	_ =	shalt  }
0x71: {  	_ =	shalt  }
0x72: {  	_ =	shalt  }
0x73: {  	_ =	shalt  }
0x74: {  	_ =	shalt  }
0x75: {  	_ =	shalt  }
0x76: {  	_ =	shalt  }
0x77: {  	_ =	shalt  }
0x78: {  	_ =	shalt  }
0x79: {  	_ =	shalt  }
0x7a: {  	_ =	shalt  }
0x7b: {  	_ =	shalt  }
0x7c: {  	_ =	shalt  }
0x7d: {  	_ =	shalt  }
0x7e: {  	_ =	shalt  }
0x7f: {  	_ =	shalt  }
0x80: {  	_ =	shalt  }
0x81: {  	_ =	shalt  }
0x82: {  	_ =	shalt  }
0x83: {  	_ =	shalt  }
0x84: {  	_ =	shalt  }
0x85: {  	_ =	shalt  }
0x86: {  	_ =	shalt  }
0x87: {  	_ =	shalt  }
.Lfunc_end0:
.L_simem_size_0:
called_computation_lowered:
.L_overlay_start_0:
0x88: {  	s2 =	sld [smem:$0x3FD9]  }
0x89: {  	s3 =	sld [smem:$0x3FFE];
	_ =	sdelay $0x1  }
0x8a: {  	s1 =	srdreg.scid  }
0x8b: {  	s0 =	sand.u32 $0x1, s1  }
0x8c: {  	s17 =	sshll.u32 s0, $0xA;
	s2 =	sadd.s32 s3, s2  }
0x8d: {  	s2 =	sadd.s32 s2, s17  }
0x8e: {  	[smem:$0x3FC1] =	sst s2  }
0x8f: {  	_ = 	snop  }
0x90: {  	s2 =	sld [smem:$0x3FC8]  }
0x91: {  	s18 =	sld [smem:$0x3FD0];
	(tm) =	ssettm $0x1  }
0x92: {  	s4 =	sld [smem:$0x3FFB];
	_ =	sdelay $0x3  }
0x93: {  	_ =	strace s4  }
0x94: {  	s4 =	sld [smem:$0x3FFC];
	_ =	sdelay $0x3  }
0x95: {  	_ =	strace s4  }
0x96: {  	s4 =	sld [smem:$0x3FFD];
	_ =	sdelay $0x3  }
0x97: {  	_ =	strace s4  }
0x98: {  	_ =	strace $0x8FFFFFFF  }
0x99: {  	s19 =	sld [smem:$0x3FDB];
	_ =	sdelay $0x1  }
0x9a: {  	s5 =	simm.s32 $_scs_section_size  }
0x9b: {  	s6 =	simm.s32 $_size__tile_overlayer_lowered;
	s7 =	simm.s32 $_tile_overlayer_lowered  }
0x9c: {  	s22 =	simm.s32 $0x1BFF;
	s21 =	sshll.u32 s7, $0x1;
	s4 =	sadd.s32 s5, s19  }
0x9d: {  	s8 =	simm.s32 $0x0;
	s20 =	sshll.u32 s6, $0x1;
	s6 =	sadd.s32 s21, s4  }
0x9e: {  	[timem:s8], [sflag:s22] =	dma.local [hbm:s6], s20  }
0x9f: {  	_ =	swait.ge [sflag:s22], s20  }
0xa0: {  	s5 =	ssub.s32 $0x0, s20;
	[sflag:s22] =	ssyncset.done $0x0  }
0xa1: {  	[sflag:s22] =	ssyncadd.s32 s5;
	_ =	sdelay $0x1  }
0xa2: {  	s23 =	simm.s32 $0x1B8B  }
0xa3: {  	_ =	swait.ge [sflag:s23], $0x1  }
0xa4: {  	[sflag:s23] =	ssyncset.done $0x0  }
0xa5: {  	s25 =	simm.s32 $0x1B8E;
	s24 =	sld [smem:$0x3FFE];
	[sflag:s23] =	ssyncadd.s32 $0xFFFFFFFF  }
0xa6: {  	s26 =	simm.s32 $execute0_lowered;
	[smem:$0x3FD2] =	sst s25  }
0xa7: {  	s6 =	sshll.u32 s26, $0x1;
	_ =	strace $0x80000046;
	[dreg:$0x1] =	wrdreg $0xFFFFFFFF  }
0xa8: {  	s28 =	simm.s32 $_size_execute0_lowered;
	s4 =	sadd.s32 s4, s6;
	[dreg:$0x0] =	wrdreg $0x0  }
0xa9: {  	s6 =	sshll.u32 s28, $0x1;
	[dreg:$0x2] =	wrdreg s4  }
0xaa: {  	[dreg:$0x3] =	wrdreg s6  }
0xab: {  	[dreg:$0x4] =	wrdreg $0xC0  }
0xac: {  	_ =	task [dreg:s8], $0x5FFFF  }
0xad: {  	[dreg:$0x1] =	wrdreg $0xFFFFFFFF  }
0xae: {  	[dreg:$0x0] =	wrdreg $0x60  }
0xaf: {  	[dreg:$0x2] =	wrdreg s24  }
0xb0: {  	[dreg:$0x3] =	wrdreg s2  }
0xb1: {  	[dreg:$0x4] =	wrdreg s18  }
0xb2: {  	[dreg:$0x5] =	wrdreg $0x9  }
0xb3: {  	_ =	task.clear_ibuf [dreg:s8], $0x6FFFF;
	_ =	strace $0x90000046  }
0xb4: {  	s29 =	simm.s32 $0x9;
	_ =	strace $0x80000048  }
0xb5: {  	_ =	swait.ge [sflag:s29], $0x1  }
0xb6: {  	[sflag:s29] =	ssyncadd.s32 $0xFFFFFFFF  }
0xb7: {  	_ =	strace $0x90000048  }
0xb8: {  	_ =	sfence  }
0xb9: {  	s30 =	sld [smem:$0x0];
	_ =	sdelay $0x2  }
0xba: {  	s31 =	sshll.u32 s1, $0xD;
	s1 =	sshrl.u32 s1, $0x2  }
0xbb: {  	s3 =	sand.u32 $0x4000, s31;
	s1 =	sadd.s32 s1, s30  }
0xbc: {  	s0 =	sor.u32 s3, s0;
	s1 =	sshll.u32 s1, $0x11  }
0xbd: {  	s0 =	sor.u32 s1, s0  }
0xbe: {  	s0 =	sadd.s32 $0x8F2B, s0  }
0xbf: {  	[sflag:s0] =	ssyncadd.remote.s32 $0x1  }
0xc0: {  	_ =	sfence.sel $0xFFFF  }
0xc1: {  	[dreg:$0x0] =	wrdreg $0xFFFFFFFF;
	(pc) =	sbr.abs _section_cstart, $3  }
0xc2: {  	[dreg:$0x1] =	wrdreg $0xFFFFFFFF  }
0xc3: {  	_ =	task.clear_ibuf [dreg:s8], $0x2FFFF;
	_ =	strace $0x9FFFFFFF  }
0xc4: {  	(tm) =	ssettm $0x7FFFFFFF  }
0xc5: {  	_ =	shalt  }
tec
execute0_lowered:
.L_overlay_start_1:
0x0: {  	(tag) =	ssettag $0x1  }
0x1: {  	s1 =	rddreg [dreg:$0x0]  }
0x2: {  	s2 =	srdreg.scid;
	s3 =	rddreg [dreg:$0x1]  }
0x3: {  	s0 =	stileid.u32;
	s6 =	rddreg [dreg:$0x2];
	s11 =	simm.s32 $0x80  }
0x4: {  	s12 =	simm.s32 $0x400;
	s13 =	simm.s32 $0x0;
	s5 =	sand.u32 $0x1, s2  }
0x5: {  	s30 =	sshll.u32 s0, $0x1;
	s4 =	sshrl.u32 s0, $0x2;
	s2 =	rddreg [dreg:$0x3]  }
0x6: {  	s7 =	sor.u32 s5, s30;
	s8 =	smul.u32 $0x14000, s4;
	s4 =	simm.s32 $0x0  }
0x7: {  	s5 =	ssub.s32 $0x2, s5;
	s9 =	sshll.u32 s7, $0x7;
	[smem:$0x7FF] =	sst s4  }
0x8: {  	s10 =	sshrl.u32 s5, $0x1;
	s9 =	sand.u32 $0x380, s9;
	_ =	strace $0x80000047  }
0x9: {  	s31 =	ssub.s32 s5, s10;
	s5 =	smul.u32 $0x2710, s7;
	s8 =	sor.u32 s8, s9  }
0xa: {  	s10 =	simm.s32 $0x3000;
	s7 =	smax.u32 s31, $0x1;
	s8 =	sshrl.u32 s8, $0x3  }
0xb: {  	v0 =	vimm.f32 $0.0e+00;
	s9 =	simm.s32 $0x1;
	s6 =	sadd.s32 s6, s8;
	s8 =	simm.s32 $0x2800  }
.LBB2_1:
0xc: {  	s14 =	simm.s32 $0x40;
	s15 =	simm.s32 $0x0  }
.LBB2_2:
0xd: {  	p0 =	sne.s32 s14, $0x9FC0;
	[tilespmem:s15+$0x0] =	vst v0;
	s15 =	smov.u32 s14;
	s14 =	sadd.s32 $0x40, s14  }
.Ltmp0:
0xe: {  	(pc) =	sbr.rel @p0 .LBB2_2-.Ltmp0, $2  }
0xf: {  	_ =	sdelay $0x2  }
0x10: {  	s15 =	sshra.s32 s15, $0x2  }
0x11: {  	[tilespmem:s15+$0x0] =	vst v0;
	s14 =	simm.s32 $0x0;
	s15 =	simm.s32 $0x0  }
.LBB2_4:
0x12: {  	s16 =	smul.u32 $0x7D0, s15;
	_ =	sdelay $0x1  }
0x13: {  	s16 =	sadd.s32 s5, s16  }
0x14: {  	s16 =	sshrl.u32 s16, $0x3  }
0x15: {  	s17 =	sadd.s32 s1, s16  }
0x16: {  	[tilespmem:s8], [sflag:$0x1] =	stream.linear.gather [hbm4b:s17+s14], $0x7D0, $0x38;
	[tilespmem:$0x3800] =	vst v63  }
0x17: {  	_ =	swait.ge [sflag:s9], $0x7D0  }
0x18: {  	[sflag:s9] =	ssyncset.done $0x0  }
0x19: {  	s16 =	sadd.s32 s3, s16;
	[sflag:s9] =	ssyncadd.s32 $0xFFFFF830  }
0x1a: {  	[tilespmem:s10], [sflag:$0x1] =	stream.linear.gather [hbm4b:s16+s14], $0x7D0, $0x38;
	[tilespmem:$0x3800] =	vst v63  }
0x1b: {  	_ =	swait.ge [sflag:s9], $0x7D0  }
0x1c: {  	[sflag:s9] =	ssyncset.done $0x0  }
0x1d: {  	s17 =	simm.s32 $0x0;
	s16 =	simm.s32 $0x40;
	[sflag:s9] =	ssyncadd.s32 $0xFFFFF830  }
.LBB2_5:
0x1e: {  	p0 =	sne.s32 s16, $0x1F00;
	v1 =	vld [tilespmem:s17+$0x3000];
	_ =	sdelay $0x2  }
0x1f: {  	v2 =	vld [tilespmem:s17+$0x2800]  }
.Ltmp1:
0x20: {  	(pc) =	sbr.rel @p0 .LBB2_5-.Ltmp1, $2  }
0x21: {  	_ =	sdelay $0x2  }
0x22: {  	s17 =	sshra.s32 s16, $0x2;
	s16 =	sadd.s32 $0x40, s16;
	[tilespmem:v1+s4+$0x0] =	vst.idx.add.f32.msk $0xffff, v2  }
0x23: {  	v1 =	vld [tilespmem:s17+$0x3000];
	_ =	sdelay $0x1  }
0x24: {  	s15 =	sadd.s32 $0x1, s15  }
0x25: {  	v2 =	vld [tilespmem:s17+$0x2800];
	p0 =	sne.s32 s15, $0x5  }
.Ltmp2:
0x26: {  	_ = 	snop;
	(pc) =	sbr.rel @p0 .LBB2_4-.Ltmp2, $2  }
0x27: {  	_ =	sdelay $0x2  }
0x28: {  	[tilespmem:v1+s4+$0x0] =	vst.idx.add.f32.msk $0xffff, v2  }
0x29: {  	s13 =	sadd.s32 $0x1, s13  }
0x2a: {  	p0 =	sne.s32 s13, s7  }
.Ltmp3:
0x2b: {  	_ = 	snop;
	(pc) =	sbr.rel @p0 .LBB2_1-.Ltmp3, $4  }
0x2c: {  	[hbm4b:s6+s11] =	stream.strided.scatter [tilespmem:s4], [sflag:$0x1], $0x2800, s12, s11, $0x38;
	[tilespmem:$0x3800] =	vst v63  }
0x2d: {  	_ =	swait.ge [sflag:s9], $0x2800  }
0x2e: {  	[sflag:s9] =	ssyncset.done $0x0  }
0x2f: {  	[sflag:s9] =	ssyncadd.s32 $0xFFFFD800  }
0x30: {  	_ =	sfence.sel $0x180000  }
0x31: {  	[bflag:$0x0] =	sbarrier.arrive $0xFFFF  }
0x32: {  	p0 =	sne.s32 s0, $0x0;
	_ =	strace $0x90000047  }
0x33: {  	s0 =	sadd.s32 @!p0 $0x100000, s2;
	[bflag:$0x2] =	sbarrier.arrive $0xFFFF  }
0x34: {  	[sflag:s0] =	ssyncadd.tile.s32 @!p0 $0x1;
	_ =	shalt  }
.Lfunc_end2:
_tile_overlayer_lowered:
.L_overlay_start_2:
0x35: {  	(tag) =	ssettag $0x2  }
0x36: {  	s0 =	rddreg [dreg:$0x0];
	s2 =	stileid.u32  }
0x37: {  	s1 =	rddreg [dreg:$0x1];
	p0 =	sne.s32 s2, $0x0  }
0x38: {  	s3 =	rddreg [dreg:$0x2];
	[bflag:$0x3] =	sbarrier.arrive $0xFFFF;
	s2 =	simm.s32 @!p0 $0x1C01  }
0x39: {  	[timem:s3], [sflag:s2] =	dma.local @!p0 [hbm:s0], s1  }
0x3a: {  	s0 =	simm.s32 @!p0 $0x1  }
0x3b: {  	_ =	swait.ge @!p0 [sflag:s0], s1  }
0x3c: {  	s1 =	ssub.s32 @!p0 $0x0, s1;
	[sflag:s0] =	ssyncset.done @!p0 $0x0  }
0x3d: {  	[sflag:s0] =	ssyncadd.s32 @!p0 s1  }
0x3e: {  	[bflag:$0x3] =	sbarrier.arrive $0xFFFF  }
0x3f: {  	_ =	shalt  }

</sc_bundles>
